<compile_context>
chip_gen: v7x
topology: tpu7x:2x2x1
jax: 0.10.2.dev20260603
libtpu: 0.0.44.dev20260713+nightly
codegen_flags: <defaults>
</compile_context>

<pallas_src>
import functools

import jax
import jax.numpy as jnp
from jax import lax
from jax.experimental import pallas as pl
from jax.experimental.pallas import tpu as pltpu
from jax.experimental.pallas import tpu_sc as plsc

_NUM_EMBEDDINGS = 1024
_DIM = 64
_B = 9216

_NC, _NS = 2, 16
_NW = _NC * _NS
_BPW = _B // _NW
_NCH = 3
_CH = _BPW // _NCH


def _argmin_body(xt_ref, d_ref, idx_ref, tab_ref):
    xb = jnp.concatenate([xt_ref[i].T for i in range(4)], axis=0)
    dm = d_ref[...]
    sim = jnp.dot(xb, dm, preferred_element_type=jnp.float32)
    rn = jnp.sum(xb * xb, axis=1, keepdims=True)
    cn = jnp.sum(dm * dm, axis=0, keepdims=True)
    dist = rn + cn - 2.0 * sim
    minv = jnp.min(dist, axis=1, keepdims=True)
    iota = jax.lax.broadcasted_iota(jnp.int32, dist.shape, 1)
    masked = jnp.where(dist == minv, iota, _NUM_EMBEDDINGS)
    idx = jnp.min(masked, axis=1)
    idx_ref[...] = idx.reshape(8, _NCH, _CH)

    @pl.when(pl.program_id(0) == 0)
    def _():
        dt = dm.T
        tab_ref[...] = jnp.concatenate([dt, dt], axis=1)


def _code_indices(xt, dictionary):
    nb = xt.shape[0]
    return pl.pallas_call(
        _argmin_body,
        grid=(nb // 4,),
        in_specs=[
            pl.BlockSpec((4, _DIM, 2 * _BPW), lambda i: (i, 0, 0)),
            pl.BlockSpec((_DIM, _NUM_EMBEDDINGS), lambda i: (0, 0)),
        ],
        out_specs=[
            pl.BlockSpec((8, _NCH, _CH), lambda i: (i, 0, 0)),
            pl.BlockSpec((_NUM_EMBEDDINGS, 2 * _DIM), lambda i: (0, 0)),
        ],
        out_shape=[
            jax.ShapeDtypeStruct((_NW, _NCH, _CH), jnp.int32),
            jax.ShapeDtypeStruct((_NUM_EMBEDDINGS, 2 * _DIM), jnp.float32),
        ],
    )(xt, dictionary)


@functools.cache
def _make_sc_gather():
    mesh = plsc.VectorSubcoreMesh(core_axis_name="c", subcore_axis_name="s")

    @functools.partial(
        pl.kernel,
        mesh=mesh,
        out_type=jax.ShapeDtypeStruct((_NW, _NCH, _CH, 2 * _DIM), jnp.float32),
        scratch_types=[
            pltpu.VMEM((_NCH, _CH), jnp.int32),
            pltpu.VMEM((_NCH, _CH, 2 * _DIM), jnp.float32),
            pltpu.SemaphoreType.DMA,
            pltpu.SemaphoreType.DMA,
        ],
    )
    def _sc_gather(idx_hbm, table_hbm, out_hbm, idx_v, rows_v, sem, osem):
        wid = lax.axis_index("s") * _NC + lax.axis_index("c")
        pltpu.sync_copy(idx_hbm.at[wid], idx_v)
        copies = [
            pltpu.async_copy(table_hbm.at[idx_v.at[k]], rows_v.at[k], sem)
            for k in range(_NCH)
        ]
        out_copies = []
        for k in range(_NCH):
            copies[k].wait()
            out_copies.append(
                pltpu.async_copy(rows_v.at[k], out_hbm.at[wid, k], osem)
            )
        for cp in out_copies:
            cp.wait()

    return _sc_gather


def _compact_body(g_ref, out_ref):
    for j in range(g_ref.shape[0]):
        out_ref[j] = g_ref[j][:, :_DIM].T


def _compact_transpose(g):
    nb = g.shape[0]
    return pl.pallas_call(
        _compact_body,
        grid=(nb // 4,),
        in_specs=[pl.BlockSpec((4, 576, 2 * _DIM), lambda i: (i, 0, 0))],
        out_specs=pl.BlockSpec((4, _DIM, 576), lambda i: (i, 0, 0)),
        out_shape=jax.ShapeDtypeStruct((nb, _DIM, 576), jnp.float32),
    )(g)


def kernel(x, dictionary):
    orig_shape = x.shape
    xt = jnp.transpose(x, (0, 2, 1))
    del orig_shape
    idx, table = _code_indices(xt, dictionary)
    g = _make_sc_gather()(idx, table)
    qt = _compact_transpose(g.reshape(_B // 576, 576, 2 * _DIM))
    return jnp.transpose(qt, (0, 2, 1))

# --- scband reference (transcript-rebuilt; emitter-appended) ---
"""Pipeline reference for scband-vqblock-21174188769555 (READ-ONLY COPY).

The authoritative reference and input builder live on the scoring server;
editing this copy changes nothing except your own understanding.
"""

import jax, jax.numpy as jnp
import numpy as np

NUM_EMBEDDINGS = 1024
EMBEDDING_DIM = 64
TASK_LR = 1.0
BETA = 0.25
WEIGHT_SCALE = 0.02


def setup_inputs(seed: int = 0) -> dict:
    key = jax.random.key(seed)
    kx, kd = jax.random.split(key)
    x = jax.random.normal(kx, (16, 576, 64), dtype=jnp.float32)
    # tf.keras.initializers.RandomUniform default: uniform in [-0.05, 0.05]
    dictionary = jax.random.uniform(kd, (EMBEDDING_DIM, NUM_EMBEDDINGS), dtype=jnp.float32, minval=-0.05, maxval=0.05)
    return {"x": x, "dictionary": dictionary}


def _get_code_indices(flattened, dictionary):
    similarity = flattened @ dictionary
    distances = (
        jnp.sum(flattened ** 2, axis=1, keepdims=True)
        + jnp.sum(dictionary ** 2, axis=0, keepdims=True)
        - 2.0 * similarity
    )
    return jnp.argmin(distances, axis=1)


def reference(x, dictionary):
    img_dims = x.shape
    flat = x.reshape(-1, EMBEDDING_DIM)
    code_idx = _get_code_indices(flat, dictionary)
    idx_one_hot = jax.nn.one_hot(code_idx, NUM_EMBEDDINGS, dtype=jnp.float32)
    if EMBEDDING_DIM == 1:
        quantized = jnp.sum(idx_one_hot * dictionary, axis=1)
        quantized = quantized * WEIGHT_SCALE
    else:
        quantized = idx_one_hot @ dictionary.T
    quantized = TASK_LR * quantized
    q = quantized.reshape(img_dims)
    # straight-through estimator
    q = x + jax.lax.stop_gradient(q - x)
    return q

if __name__ == "__main__":
    import jax
    _d = setup_inputs()
    print(jax.jit(kernel)(*tuple(_d.values())))

</pallas_src>

<mosaic_0001>
#map = affine_map<(d0, d1) -> (0, 0, 0)>
#map1 = affine_map<(d0, d1) -> (0, 0)>
#map2 = affine_map<(d0, d1) -> (0, 0, 0, 0)>
module attributes {stable_mosaic.version = 14 : i64} {
  func.func @_sc_gather(%arg0: i32, %arg1: i32, %arg2: memref<32x3x96xi32, #tpu.memory_space<hbm>>, %arg3: memref<1024x128xf32, #tpu.memory_space<hbm>>, %arg4: memref<32x3x96x128xf32, #tpu.memory_space<hbm>>, %arg5: memref<3x96xi32, #tpu.memory_space<vmem>>, %arg6: memref<3x96x128xf32, #tpu.memory_space<vmem>>, %arg7: memref<!tpu.dma_semaphore, #tpu.memory_space<semaphore_mem>>, %arg8: memref<!tpu.dma_semaphore, #tpu.memory_space<semaphore_mem>>) attributes {dimension_semantics = [#tpu.dimension_semantics<core_parallel>, #tpu.dimension_semantics<subcore_parallel>], iteration_bounds = array<i64: 2, 16>, scalar_prefetch = 0 : i64, scratch_operands = 4 : i64, tpu.core_type = #tpu.core_type<sc_vector_subcore>, window_params = [{transform_indices = #map}, {transform_indices = #map1}, {transform_indices = #map2}]} {
    %mul3A = arith.constant 2 : i32
    %mul3A_0 = arith.muli %arg1, %mul3A : i32
    %add3A = arith.addi %mul3A_0, %arg0 : i32
    "tpu.region"() ({
      %run_scoped3A = tpu.sem_alloc : memref<!tpu.dma_semaphore, #tpu.memory_space<semaphore_mem>>
      %dma_start3A_179 = arith.constant 0 : i32
      %dma_start3A_180 = arith.constant 0 : i32
      %dma_start3A_181 = tpu.memref_slice %arg2[%add3A, %dma_start3A_179, %dma_start3A_180] : memref<32x3x96xi32, #tpu.memory_space<hbm>> -> memref<1x3x96xi32, #tpu.memory_space<hbm>>
      %dma_start3A_182 = tpu.memref_squeeze %dma_start3A_181 : memref<1x3x96xi32, #tpu.memory_space<hbm>> -> memref<3x96xi32, #tpu.memory_space<hbm>>
      %dma_start3A_183 = arith.constant 0 : i32
      %dma_start3A_184 = arith.constant 0 : i32
      %dma_start3A_185 = tpu.memref_slice %arg2[%add3A, %dma_start3A_183, %dma_start3A_184] : memref<32x3x96xi32, #tpu.memory_space<hbm>> -> memref<1x3x96xi32, #tpu.memory_space<hbm>>
      %dma_start3A_186 = tpu.memref_squeeze %dma_start3A_185 : memref<1x3x96xi32, #tpu.memory_space<hbm>> -> memref<3x96xi32, #tpu.memory_space<hbm>>
      tpu.enqueue_dma source(%dma_start3A_186 : memref<3x96xi32, #tpu.memory_space<hbm>>) target(%arg5 : memref<3x96xi32, #tpu.memory_space<vmem>>) target_semaphore(%run_scoped3A : memref<!tpu.dma_semaphore, #tpu.memory_space<semaphore_mem>>)
      %dma_wait3A_187 = arith.constant 0 : i32
      %dma_wait3A_188 = arith.constant 0 : i32
      %dma_wait3A_189 = tpu.memref_slice %arg2[%add3A, %dma_wait3A_187, %dma_wait3A_188] : memref<32x3x96xi32, #tpu.memory_space<hbm>> -> memref<1x3x96xi32, #tpu.memory_space<hbm>>
      %dma_wait3A_190 = tpu.memref_squeeze %dma_wait3A_189 : memref<1x3x96xi32, #tpu.memory_space<hbm>> -> memref<3x96xi32, #tpu.memory_space<hbm>>
      %dma_wait3A_191 = arith.constant 0 : i32
      %dma_wait3A_192 = arith.constant 0 : i32
      %dma_wait3A_193 = tpu.memref_slice %arg2[%add3A, %dma_wait3A_191, %dma_wait3A_192] : memref<32x3x96xi32, #tpu.memory_space<hbm>> -> memref<1x3x96xi32, #tpu.memory_space<hbm>>
      %dma_wait3A_194 = tpu.memref_squeeze %dma_wait3A_193 : memref<1x3x96xi32, #tpu.memory_space<hbm>> -> memref<3x96xi32, #tpu.memory_space<hbm>>
      tpu.wait_dma2 semaphore(%run_scoped3A : memref<!tpu.dma_semaphore, #tpu.memory_space<semaphore_mem>>) src(%dma_wait3A_194 : memref<3x96xi32, #tpu.memory_space<hbm>>) dst(%arg5 : memref<3x96xi32, #tpu.memory_space<vmem>>)
      tpu.yield
    }) : () -> ()
    %dma_start3A = arith.constant 0 : i32
    %dma_start3A_1 = arith.constant 0 : i32
    %dma_start3A_2 = arith.constant 0 : i32
    %dma_start3A_3 = arith.constant 0 : i32
    %dma_start3A_4 = tpu.memref_slice %arg6[%dma_start3A_1, %dma_start3A_2, %dma_start3A_3] : memref<3x96x128xf32, #tpu.memory_space<vmem>> -> memref<1x96x128xf32, #tpu.memory_space<vmem>>
    %dma_start3A_5 = tpu.memref_squeeze %dma_start3A_4 : memref<1x96x128xf32, #tpu.memory_space<vmem>> -> memref<96x128xf32, #tpu.memory_space<vmem>>
    %dma_start3A_6 = arith.constant 0 : i32
    %dma_start3A_7 = tpu.memref_slice %arg5[%dma_start3A, %dma_start3A_6] : memref<3x96xi32, #tpu.memory_space<vmem>> -> memref<1x96xi32, #tpu.memory_space<vmem>>
    %dma_start3A_8 = tpu.memref_squeeze %dma_start3A_7 : memref<1x96xi32, #tpu.memory_space<vmem>> -> memref<96xi32, #tpu.memory_space<vmem>>
    %dma_start3A_9 = arith.constant 0 : i32
    %dma_start3A_10 = arith.constant 0 : i32
    %dma_start3A_11 = tpu.memref_slice %arg3[%dma_start3A_9, %dma_start3A_10] : memref<1024x128xf32, #tpu.memory_space<hbm>> -> memref<1024x128xf32, #tpu.memory_space<hbm>>
    tpu.enqueue_indirect_dma source(%dma_start3A_11 : memref<1024x128xf32, #tpu.memory_space<hbm>>) target(%dma_start3A_5 : memref<96x128xf32, #tpu.memory_space<vmem>>) offsets(%dma_start3A_8 : memref<96xi32, #tpu.memory_space<vmem>>) semaphore(%arg7 : memref<!tpu.dma_semaphore, #tpu.memory_space<semaphore_mem>>)
    %dma_start3A_12 = arith.constant 1 : i32
    %dma_start3A_13 = arith.constant 1 : i32
    %dma_start3A_14 = arith.constant 0 : i32
    %dma_start3A_15 = arith.constant 0 : i32
    %dma_start3A_16 = tpu.memref_slice %arg6[%dma_start3A_13, %dma_start3A_14, %dma_start3A_15] : memref<3x96x128xf32, #tpu.memory_space<vmem>> -> memref<1x96x128xf32, #tpu.memory_space<vmem>>
    %dma_start3A_17 = tpu.memref_squeeze %dma_start3A_16 : memref<1x96x128xf32, #tpu.memory_space<vmem>> -> memref<96x128xf32, #tpu.memory_space<vmem>>
    %dma_start3A_18 = arith.constant 0 : i32
    %dma_start3A_19 = tpu.memref_slice %arg5[%dma_start3A_12, %dma_start3A_18] : memref<3x96xi32, #tpu.memory_space<vmem>> -> memref<1x96xi32, #tpu.memory_space<vmem>>
    %dma_start3A_20 = tpu.memref_squeeze %dma_start3A_19 : memref<1x96xi32, #tpu.memory_space<vmem>> -> memref<96xi32, #tpu.memory_space<vmem>>
    %dma_start3A_21 = arith.constant 0 : i32
    %dma_start3A_22 = arith.constant 0 : i32
    %dma_start3A_23 = tpu.memref_slice %arg3[%dma_start3A_21, %dma_start3A_22] : memref<1024x128xf32, #tpu.memory_space<hbm>> -> memref<1024x128xf32, #tpu.memory_space<hbm>>
    tpu.enqueue_indirect_dma source(%dma_start3A_23 : memref<1024x128xf32, #tpu.memory_space<hbm>>) target(%dma_start3A_17 : memref<96x128xf32, #tpu.memory_space<vmem>>) offsets(%dma_start3A_20 : memref<96xi32, #tpu.memory_space<vmem>>) semaphore(%arg7 : memref<!tpu.dma_semaphore, #tpu.memory_space<semaphore_mem>>)
    %dma_start3A_24 = arith.constant 2 : i32
    %dma_start3A_25 = arith.constant 2 : i32
    %dma_start3A_26 = arith.constant 0 : i32
    %dma_start3A_27 = arith.constant 0 : i32
    %dma_start3A_28 = tpu.memref_slice %arg6[%dma_start3A_25, %dma_start3A_26, %dma_start3A_27] : memref<3x96x128xf32, #tpu.memory_space<vmem>> -> memref<1x96x128xf32, #tpu.memory_space<vmem>>
    %dma_start3A_29 = tpu.memref_squeeze %dma_start3A_28 : memref<1x96x128xf32, #tpu.memory_space<vmem>> -> memref<96x128xf32, #tpu.memory_space<vmem>>
    %dma_start3A_30 = arith.constant 0 : i32
    %dma_start3A_31 = tpu.memref_slice %arg5[%dma_start3A_24, %dma_start3A_30] : memref<3x96xi32, #tpu.memory_space<vmem>> -> memref<1x96xi32, #tpu.memory_space<vmem>>
    %dma_start3A_32 = tpu.memref_squeeze %dma_start3A_31 : memref<1x96xi32, #tpu.memory_space<vmem>> -> memref<96xi32, #tpu.memory_space<vmem>>
    %dma_start3A_33 = arith.constant 0 : i32
    %dma_start3A_34 = arith.constant 0 : i32
    %dma_start3A_35 = tpu.memref_slice %arg3[%dma_start3A_33, %dma_start3A_34] : memref<1024x128xf32, #tpu.memory_space<hbm>> -> memref<1024x128xf32, #tpu.memory_space<hbm>>
    tpu.enqueue_indirect_dma source(%dma_start3A_35 : memref<1024x128xf32, #tpu.memory_space<hbm>>) target(%dma_start3A_29 : memref<96x128xf32, #tpu.memory_space<vmem>>) offsets(%dma_start3A_32 : memref<96xi32, #tpu.memory_space<vmem>>) semaphore(%arg7 : memref<!tpu.dma_semaphore, #tpu.memory_space<semaphore_mem>>)
    %dma_wait3A = arith.constant 0 : i32
    %dma_wait3A_36 = arith.constant 0 : i32
    %dma_wait3A_37 = arith.constant 0 : i32
    %dma_wait3A_38 = arith.constant 0 : i32
    %dma_wait3A_39 = tpu.memref_slice %arg6[%dma_wait3A_36, %dma_wait3A_37, %dma_wait3A_38] : memref<3x96x128xf32, #tpu.memory_space<vmem>> -> memref<1x96x128xf32, #tpu.memory_space<vmem>>
    %dma_wait3A_40 = tpu.memref_squeeze %dma_wait3A_39 : memref<1x96x128xf32, #tpu.memory_space<vmem>> -> memref<96x128xf32, #tpu.memory_space<vmem>>
    %dma_wait3A_41 = arith.constant 0 : i32
    %dma_wait3A_42 = tpu.memref_slice %arg5[%dma_wait3A, %dma_wait3A_41] : memref<3x96xi32, #tpu.memory_space<vmem>> -> memref<1x96xi32, #tpu.memory_space<vmem>>
    %dma_wait3A_43 = tpu.memref_squeeze %dma_wait3A_42 : memref<1x96xi32, #tpu.memory_space<vmem>> -> memref<96xi32, #tpu.memory_space<vmem>>
    %dma_wait3A_44 = arith.constant 0 : i32
    %dma_wait3A_45 = arith.constant 0 : i32
    %dma_wait3A_46 = tpu.memref_slice %arg3[%dma_wait3A_44, %dma_wait3A_45] : memref<1024x128xf32, #tpu.memory_space<hbm>> -> memref<1024x128xf32, #tpu.memory_space<hbm>>
    tpu.wait_indirect_dma semaphore(%arg7 : memref<!tpu.dma_semaphore, #tpu.memory_space<semaphore_mem>>) src(%dma_wait3A_46 : memref<1024x128xf32, #tpu.memory_space<hbm>>) dst(%dma_wait3A_40 : memref<96x128xf32, #tpu.memory_space<vmem>>)
    %dma_start3A_47 = arith.constant 0 : i32
    %dma_start3A_48 = arith.constant 0 : i32
    %dma_start3A_49 = arith.constant 0 : i32
    %dma_start3A_50 = arith.constant 0 : i32
    %dma_start3A_51 = tpu.memref_slice %arg6[%dma_start3A_47, %dma_start3A_49, %dma_start3A_50] : memref<3x96x128xf32, #tpu.memory_space<vmem>> -> memref<1x96x128xf32, #tpu.memory_space<vmem>>
    %dma_start3A_52 = tpu.memref_squeeze %dma_start3A_51 : memref<1x96x128xf32, #tpu.memory_space<vmem>> -> memref<96x128xf32, #tpu.memory_space<vmem>>
    %dma_start3A_53 = arith.constant 0 : i32
    %dma_start3A_54 = arith.constant 0 : i32
    %dma_start3A_55 = tpu.memref_slice %arg4[%add3A, %dma_start3A_48, %dma_start3A_53, %dma_start3A_54] : memref<32x3x96x128xf32, #tpu.memory_space<hbm>> -> memref<1x1x96x128xf32, #tpu.memory_space<hbm>>
    %dma_start3A_56 = tpu.memref_squeeze %dma_start3A_55 : memref<1x1x96x128xf32, #tpu.memory_space<hbm>> -> memref<96x128xf32, #tpu.memory_space<hbm>>
    %dma_start3A_57 = arith.constant 0 : i32
    %dma_start3A_58 = arith.constant 0 : i32
    %dma_start3A_59 = tpu.memref_slice %arg4[%add3A, %dma_start3A_48, %dma_start3A_57, %dma_start3A_58] : memref<32x3x96x128xf32, #tpu.memory_space<hbm>> -> memref<1x1x96x128xf32, #tpu.memory_space<hbm>>
    %dma_start3A_60 = tpu.memref_squeeze %dma_start3A_59 : memref<1x1x96x128xf32, #tpu.memory_space<hbm>> -> memref<96x128xf32, #tpu.memory_space<hbm>>
    %dma_start3A_61 = arith.constant 0 : i32
    %dma_start3A_62 = arith.constant 0 : i32
    %dma_start3A_63 = tpu.memref_slice %arg6[%dma_start3A_47, %dma_start3A_61, %dma_start3A_62] : memref<3x96x128xf32, #tpu.memory_space<vmem>> -> memref<1x96x128xf32, #tpu.memory_space<vmem>>
    %dma_start3A_64 = tpu.memref_squeeze %dma_start3A_63 : memref<1x96x128xf32, #tpu.memory_space<vmem>> -> memref<96x128xf32, #tpu.memory_space<vmem>>
    tpu.enqueue_dma source(%dma_start3A_64 : memref<96x128xf32, #tpu.memory_space<vmem>>) target(%dma_start3A_60 : memref<96x128xf32, #tpu.memory_space<hbm>>) target_semaphore(%arg8 : memref<!tpu.dma_semaphore, #tpu.memory_space<semaphore_mem>>)
    %dma_wait3A_65 = arith.constant 1 : i32
    %dma_wait3A_66 = arith.constant 1 : i32
    %dma_wait3A_67 = arith.constant 0 : i32
    %dma_wait3A_68 = arith.constant 0 : i32
    %dma_wait3A_69 = tpu.memref_slice %arg6[%dma_wait3A_66, %dma_wait3A_67, %dma_wait3A_68] : memref<3x96x128xf32, #tpu.memory_space<vmem>> -> memref<1x96x128xf32, #tpu.memory_space<vmem>>
    %dma_wait3A_70 = tpu.memref_squeeze %dma_wait3A_69 : memref<1x96x128xf32, #tpu.memory_space<vmem>> -> memref<96x128xf32, #tpu.memory_space<vmem>>
    %dma_wait3A_71 = arith.constant 0 : i32
    %dma_wait3A_72 = tpu.memref_slice %arg5[%dma_wait3A_65, %dma_wait3A_71] : memref<3x96xi32, #tpu.memory_space<vmem>> -> memref<1x96xi32, #tpu.memory_space<vmem>>
    %dma_wait3A_73 = tpu.memref_squeeze %dma_wait3A_72 : memref<1x96xi32, #tpu.memory_space<vmem>> -> memref<96xi32, #tpu.memory_space<vmem>>
    %dma_wait3A_74 = arith.constant 0 : i32
    %dma_wait3A_75 = arith.constant 0 : i32
    %dma_wait3A_76 = tpu.memref_slice %arg3[%dma_wait3A_74, %dma_wait3A_75] : memref<1024x128xf32, #tpu.memory_space<hbm>> -> memref<1024x128xf32, #tpu.memory_space<hbm>>
    tpu.wait_indirect_dma semaphore(%arg7 : memref<!tpu.dma_semaphore, #tpu.memory_space<semaphore_mem>>) src(%dma_wait3A_76 : memref<1024x128xf32, #tpu.memory_space<hbm>>) dst(%dma_wait3A_70 : memref<96x128xf32, #tpu.memory_space<vmem>>)
    %dma_start3A_77 = arith.constant 1 : i32
    %dma_start3A_78 = arith.constant 1 : i32
    %dma_start3A_79 = arith.constant 0 : i32
    %dma_start3A_80 = arith.constant 0 : i32
    %dma_start3A_81 = tpu.memref_slice %arg6[%dma_start3A_77, %dma_start3A_79, %dma_start3A_80] : memref<3x96x128xf32, #tpu.memory_space<vmem>> -> memref<1x96x128xf32, #tpu.memory_space<vmem>>
    %dma_start3A_82 = tpu.memref_squeeze %dma_start3A_81 : memref<1x96x128xf32, #tpu.memory_space<vmem>> -> memref<96x128xf32, #tpu.memory_space<vmem>>
    %dma_start3A_83 = arith.constant 0 : i32
    %dma_start3A_84 = arith.constant 0 : i32
    %dma_start3A_85 = tpu.memref_slice %arg4[%add3A, %dma_start3A_78, %dma_start3A_83, %dma_start3A_84] : memref<32x3x96x128xf32, #tpu.memory_space<hbm>> -> memref<1x1x96x128xf32, #tpu.memory_space<hbm>>
    %dma_start3A_86 = tpu.memref_squeeze %dma_start3A_85 : memref<1x1x96x128xf32, #tpu.memory_space<hbm>> -> memref<96x128xf32, #tpu.memory_space<hbm>>
    %dma_start3A_87 = arith.constant 0 : i32
    %dma_start3A_88 = arith.constant 0 : i32
    %dma_start3A_89 = tpu.memref_slice %arg4[%add3A, %dma_start3A_78, %dma_start3A_87, %dma_start3A_88] : memref<32x3x96x128xf32, #tpu.memory_space<hbm>> -> memref<1x1x96x128xf32, #tpu.memory_space<hbm>>
    %dma_start3A_90 = tpu.memref_squeeze %dma_start3A_89 : memref<1x1x96x128xf32, #tpu.memory_space<hbm>> -> memref<96x128xf32, #tpu.memory_space<hbm>>
    %dma_start3A_91 = arith.constant 0 : i32
    %dma_start3A_92 = arith.constant 0 : i32
    %dma_start3A_93 = tpu.memref_slice %arg6[%dma_start3A_77, %dma_start3A_91, %dma_start3A_92] : memref<3x96x128xf32, #tpu.memory_space<vmem>> -> memref<1x96x128xf32, #tpu.memory_space<vmem>>
    %dma_start3A_94 = tpu.memref_squeeze %dma_start3A_93 : memref<1x96x128xf32, #tpu.memory_space<vmem>> -> memref<96x128xf32, #tpu.memory_space<vmem>>
    tpu.enqueue_dma source(%dma_start3A_94 : memref<96x128xf32, #tpu.memory_space<vmem>>) target(%dma_start3A_90 : memref<96x128xf32, #tpu.memory_space<hbm>>) target_semaphore(%arg8 : memref<!tpu.dma_semaphore, #tpu.memory_space<semaphore_mem>>)
    %dma_wait3A_95 = arith.constant 2 : i32
    %dma_wait3A_96 = arith.constant 2 : i32
    %dma_wait3A_97 = arith.constant 0 : i32
    %dma_wait3A_98 = arith.constant 0 : i32
    %dma_wait3A_99 = tpu.memref_slice %arg6[%dma_wait3A_96, %dma_wait3A_97, %dma_wait3A_98] : memref<3x96x128xf32, #tpu.memory_space<vmem>> -> memref<1x96x128xf32, #tpu.memory_space<vmem>>
    %dma_wait3A_100 = tpu.memref_squeeze %dma_wait3A_99 : memref<1x96x128xf32, #tpu.memory_space<vmem>> -> memref<96x128xf32, #tpu.memory_space<vmem>>
    %dma_wait3A_101 = arith.constant 0 : i32
    %dma_wait3A_102 = tpu.memref_slice %arg5[%dma_wait3A_95, %dma_wait3A_101] : memref<3x96xi32, #tpu.memory_space<vmem>> -> memref<1x96xi32, #tpu.memory_space<vmem>>
    %dma_wait3A_103 = tpu.memref_squeeze %dma_wait3A_102 : memref<1x96xi32, #tpu.memory_space<vmem>> -> memref<96xi32, #tpu.memory_space<vmem>>
    %dma_wait3A_104 = arith.constant 0 : i32
    %dma_wait3A_105 = arith.constant 0 : i32
    %dma_wait3A_106 = tpu.memref_slice %arg3[%dma_wait3A_104, %dma_wait3A_105] : memref<1024x128xf32, #tpu.memory_space<hbm>> -> memref<1024x128xf32, #tpu.memory_space<hbm>>
    tpu.wait_indirect_dma semaphore(%arg7 : memref<!tpu.dma_semaphore, #tpu.memory_space<semaphore_mem>>) src(%dma_wait3A_106 : memref<1024x128xf32, #tpu.memory_space<hbm>>) dst(%dma_wait3A_100 : memref<96x128xf32, #tpu.memory_space<vmem>>)
    %dma_start3A_107 = arith.constant 2 : i32
    %dma_start3A_108 = arith.constant 2 : i32
    %dma_start3A_109 = arith.constant 0 : i32
    %dma_start3A_110 = arith.constant 0 : i32
    %dma_start3A_111 = tpu.memref_slice %arg6[%dma_start3A_107, %dma_start3A_109, %dma_start3A_110] : memref<3x96x128xf32, #tpu.memory_space<vmem>> -> memref<1x96x128xf32, #tpu.memory_space<vmem>>
    %dma_start3A_112 = tpu.memref_squeeze %dma_start3A_111 : memref<1x96x128xf32, #tpu.memory_space<vmem>> -> memref<96x128xf32, #tpu.memory_space<vmem>>
    %dma_start3A_113 = arith.constant 0 : i32
    %dma_start3A_114 = arith.constant 0 : i32
    %dma_start3A_115 = tpu.memref_slice %arg4[%add3A, %dma_start3A_108, %dma_start3A_113, %dma_start3A_114] : memref<32x3x96x128xf32, #tpu.memory_space<hbm>> -> memref<1x1x96x128xf32, #tpu.memory_space<hbm>>
    %dma_start3A_116 = tpu.memref_squeeze %dma_start3A_115 : memref<1x1x96x128xf32, #tpu.memory_space<hbm>> -> memref<96x128xf32, #tpu.memory_space<hbm>>
    %dma_start3A_117 = arith.constant 0 : i32
    %dma_start3A_118 = arith.constant 0 : i32
    %dma_start3A_119 = tpu.memref_slice %arg4[%add3A, %dma_start3A_108, %dma_start3A_117, %dma_start3A_118] : memref<32x3x96x128xf32, #tpu.memory_space<hbm>> -> memref<1x1x96x128xf32, #tpu.memory_space<hbm>>
    %dma_start3A_120 = tpu.memref_squeeze %dma_start3A_119 : memref<1x1x96x128xf32, #tpu.memory_space<hbm>> -> memref<96x128xf32, #tpu.memory_space<hbm>>
    %dma_start3A_121 = arith.constant 0 : i32
    %dma_start3A_122 = arith.constant 0 : i32
    %dma_start3A_123 = tpu.memref_slice %arg6[%dma_start3A_107, %dma_start3A_121, %dma_start3A_122] : memref<3x96x128xf32, #tpu.memory_space<vmem>> -> memref<1x96x128xf32, #tpu.memory_space<vmem>>
    %dma_start3A_124 = tpu.memref_squeeze %dma_start3A_123 : memref<1x96x128xf32, #tpu.memory_space<vmem>> -> memref<96x128xf32, #tpu.memory_space<vmem>>
    tpu.enqueue_dma source(%dma_start3A_124 : memref<96x128xf32, #tpu.memory_space<vmem>>) target(%dma_start3A_120 : memref<96x128xf32, #tpu.memory_space<hbm>>) target_semaphore(%arg8 : memref<!tpu.dma_semaphore, #tpu.memory_space<semaphore_mem>>)
    %dma_wait3A_125 = arith.constant 0 : i32
    %dma_wait3A_126 = arith.constant 0 : i32
    %dma_wait3A_127 = arith.constant 0 : i32
    %dma_wait3A_128 = arith.constant 0 : i32
    %dma_wait3A_129 = tpu.memref_slice %arg6[%dma_wait3A_125, %dma_wait3A_127, %dma_wait3A_128] : memref<3x96x128xf32, #tpu.memory_space<vmem>> -> memref<1x96x128xf32, #tpu.memory_space<vmem>>
    %dma_wait3A_130 = tpu.memref_squeeze %dma_wait3A_129 : memref<1x96x128xf32, #tpu.memory_space<vmem>> -> memref<96x128xf32, #tpu.memory_space<vmem>>
    %dma_wait3A_131 = arith.constant 0 : i32
    %dma_wait3A_132 = arith.constant 0 : i32
    %dma_wait3A_133 = tpu.memref_slice %arg4[%add3A, %dma_wait3A_126, %dma_wait3A_131, %dma_wait3A_132] : memref<32x3x96x128xf32, #tpu.memory_space<hbm>> -> memref<1x1x96x128xf32, #tpu.memory_space<hbm>>
    %dma_wait3A_134 = tpu.memref_squeeze %dma_wait3A_133 : memref<1x1x96x128xf32, #tpu.memory_space<hbm>> -> memref<96x128xf32, #tpu.memory_space<hbm>>
    %dma_wait3A_135 = arith.constant 0 : i32
    %dma_wait3A_136 = arith.constant 0 : i32
    %dma_wait3A_137 = tpu.memref_slice %arg4[%add3A, %dma_wait3A_126, %dma_wait3A_135, %dma_wait3A_136] : memref<32x3x96x128xf32, #tpu.memory_space<hbm>> -> memref<1x1x96x128xf32, #tpu.memory_space<hbm>>
    %dma_wait3A_138 = tpu.memref_squeeze %dma_wait3A_137 : memref<1x1x96x128xf32, #tpu.memory_space<hbm>> -> memref<96x128xf32, #tpu.memory_space<hbm>>
    %dma_wait3A_139 = arith.constant 0 : i32
    %dma_wait3A_140 = arith.constant 0 : i32
    %dma_wait3A_141 = tpu.memref_slice %arg6[%dma_wait3A_125, %dma_wait3A_139, %dma_wait3A_140] : memref<3x96x128xf32, #tpu.memory_space<vmem>> -> memref<1x96x128xf32, #tpu.memory_space<vmem>>
    %dma_wait3A_142 = tpu.memref_squeeze %dma_wait3A_141 : memref<1x96x128xf32, #tpu.memory_space<vmem>> -> memref<96x128xf32, #tpu.memory_space<vmem>>
    tpu.wait_dma2 semaphore(%arg8 : memref<!tpu.dma_semaphore, #tpu.memory_space<semaphore_mem>>) src(%dma_wait3A_142 : memref<96x128xf32, #tpu.memory_space<vmem>>) dst(%dma_wait3A_138 : memref<96x128xf32, #tpu.memory_space<hbm>>)
    %dma_wait3A_143 = arith.constant 1 : i32
    %dma_wait3A_144 = arith.constant 1 : i32
    %dma_wait3A_145 = arith.constant 0 : i32
    %dma_wait3A_146 = arith.constant 0 : i32
    %dma_wait3A_147 = tpu.memref_slice %arg6[%dma_wait3A_143, %dma_wait3A_145, %dma_wait3A_146] : memref<3x96x128xf32, #tpu.memory_space<vmem>> -> memref<1x96x128xf32, #tpu.memory_space<vmem>>
    %dma_wait3A_148 = tpu.memref_squeeze %dma_wait3A_147 : memref<1x96x128xf32, #tpu.memory_space<vmem>> -> memref<96x128xf32, #tpu.memory_space<vmem>>
    %dma_wait3A_149 = arith.constant 0 : i32
    %dma_wait3A_150 = arith.constant 0 : i32
    %dma_wait3A_151 = tpu.memref_slice %arg4[%add3A, %dma_wait3A_144, %dma_wait3A_149, %dma_wait3A_150] : memref<32x3x96x128xf32, #tpu.memory_space<hbm>> -> memref<1x1x96x128xf32, #tpu.memory_space<hbm>>
    %dma_wait3A_152 = tpu.memref_squeeze %dma_wait3A_151 : memref<1x1x96x128xf32, #tpu.memory_space<hbm>> -> memref<96x128xf32, #tpu.memory_space<hbm>>
    %dma_wait3A_153 = arith.constant 0 : i32
    %dma_wait3A_154 = arith.constant 0 : i32
    %dma_wait3A_155 = tpu.memref_slice %arg4[%add3A, %dma_wait3A_144, %dma_wait3A_153, %dma_wait3A_154] : memref<32x3x96x128xf32, #tpu.memory_space<hbm>> -> memref<1x1x96x128xf32, #tpu.memory_space<hbm>>
    %dma_wait3A_156 = tpu.memref_squeeze %dma_wait3A_155 : memref<1x1x96x128xf32, #tpu.memory_space<hbm>> -> memref<96x128xf32, #tpu.memory_space<hbm>>
    %dma_wait3A_157 = arith.constant 0 : i32
    %dma_wait3A_158 = arith.constant 0 : i32
    %dma_wait3A_159 = tpu.memref_slice %arg6[%dma_wait3A_143, %dma_wait3A_157, %dma_wait3A_158] : memref<3x96x128xf32, #tpu.memory_space<vmem>> -> memref<1x96x128xf32, #tpu.memory_space<vmem>>
    %dma_wait3A_160 = tpu.memref_squeeze %dma_wait3A_159 : memref<1x96x128xf32, #tpu.memory_space<vmem>> -> memref<96x128xf32, #tpu.memory_space<vmem>>
    tpu.wait_dma2 semaphore(%arg8 : memref<!tpu.dma_semaphore, #tpu.memory_space<semaphore_mem>>) src(%dma_wait3A_160 : memref<96x128xf32, #tpu.memory_space<vmem>>) dst(%dma_wait3A_156 : memref<96x128xf32, #tpu.memory_space<hbm>>)
    %dma_wait3A_161 = arith.constant 2 : i32
    %dma_wait3A_162 = arith.constant 2 : i32
    %dma_wait3A_163 = arith.constant 0 : i32
    %dma_wait3A_164 = arith.constant 0 : i32
    %dma_wait3A_165 = tpu.memref_slice %arg6[%dma_wait3A_161, %dma_wait3A_163, %dma_wait3A_164] : memref<3x96x128xf32, #tpu.memory_space<vmem>> -> memref<1x96x128xf32, #tpu.memory_space<vmem>>
    %dma_wait3A_166 = tpu.memref_squeeze %dma_wait3A_165 : memref<1x96x128xf32, #tpu.memory_space<vmem>> -> memref<96x128xf32, #tpu.memory_space<vmem>>
    %dma_wait3A_167 = arith.constant 0 : i32
    %dma_wait3A_168 = arith.constant 0 : i32
    %dma_wait3A_169 = tpu.memref_slice %arg4[%add3A, %dma_wait3A_162, %dma_wait3A_167, %dma_wait3A_168] : memref<32x3x96x128xf32, #tpu.memory_space<hbm>> -> memref<1x1x96x128xf32, #tpu.memory_space<hbm>>
    %dma_wait3A_170 = tpu.memref_squeeze %dma_wait3A_169 : memref<1x1x96x128xf32, #tpu.memory_space<hbm>> -> memref<96x128xf32, #tpu.memory_space<hbm>>
    %dma_wait3A_171 = arith.constant 0 : i32
    %dma_wait3A_172 = arith.constant 0 : i32
    %dma_wait3A_173 = tpu.memref_slice %arg4[%add3A, %dma_wait3A_162, %dma_wait3A_171, %dma_wait3A_172] : memref<32x3x96x128xf32, #tpu.memory_space<hbm>> -> memref<1x1x96x128xf32, #tpu.memory_space<hbm>>
    %dma_wait3A_174 = tpu.memref_squeeze %dma_wait3A_173 : memref<1x1x96x128xf32, #tpu.memory_space<hbm>> -> memref<96x128xf32, #tpu.memory_space<hbm>>
    %dma_wait3A_175 = arith.constant 0 : i32
    %dma_wait3A_176 = arith.constant 0 : i32
    %dma_wait3A_177 = tpu.memref_slice %arg6[%dma_wait3A_161, %dma_wait3A_175, %dma_wait3A_176] : memref<3x96x128xf32, #tpu.memory_space<vmem>> -> memref<1x96x128xf32, #tpu.memory_space<vmem>>
    %dma_wait3A_178 = tpu.memref_squeeze %dma_wait3A_177 : memref<1x96x128xf32, #tpu.memory_space<vmem>> -> memref<96x128xf32, #tpu.memory_space<vmem>>
    tpu.wait_dma2 semaphore(%arg8 : memref<!tpu.dma_semaphore, #tpu.memory_space<semaphore_mem>>) src(%dma_wait3A_178 : memref<96x128xf32, #tpu.memory_space<vmem>>) dst(%dma_wait3A_174 : memref<96x128xf32, #tpu.memory_space<hbm>>)
    return
  }
}

module attributes {stable_mosaic.version = 14 : i64} {
  func.func @_compact_body(%arg0: i32, %arg1: memref<4x576x128xf32, #tpu.memory_space<vmem>>, %arg2: memref<4x64x576xf32, #tpu.memory_space<vmem>>) attributes {dimension_semantics = [#tpu.dimension_semantics<arbitrary>], iteration_bounds = array<i64: 4>, scalar_prefetch = 0 : i64, scratch_operands = 0 : i64, tpu.core_type = #tpu.core_type<tc>, window_params = [{transform_indices = @transform_0, window_bounds = array<i64: 4, 576, 128>}, {transform_indices = @transform_1, window_bounds = array<i64: 4, 64, 576>}]} {
    %get3A = arith.constant 0 : index
    %get3A_0 = arith.constant 0 : index
    %get3A_1 = arith.constant 0 : index
    %get3A_2 = vector.load %arg1[%get3A, %get3A_0, %get3A_1] : memref<4x576x128xf32, #tpu.memory_space<vmem>>, vector<1x576x128xf32>
    %get3A_3 = vector.shape_cast %get3A_2 : vector<1x576x128xf32> to vector<576x128xf32>
    %slice3A = vector.extract_strided_slice %get3A_3 {offsets = [0, 0], sizes = [576, 64], strides = [1, 1]} : vector<576x128xf32> to vector<576x64xf32>
    %transpose3A = tpu.transpose %slice3A, [1, 0] : vector<576x64xf32> -> vector<64x576xf32>
    %swap3A = arith.constant 0 : index
    %swap3A_4 = arith.constant 0 : index
    %swap3A_5 = arith.constant 0 : index
    %swap3A_6 = vector.load %arg2[%swap3A, %swap3A_4, %swap3A_5] : memref<4x64x576xf32, #tpu.memory_space<vmem>>, vector<1x64x576xf32>
    %swap3A_7 = vector.shape_cast %swap3A_6 : vector<1x64x576xf32> to vector<64x576xf32>
    %swap3A_8 = vector.shape_cast %transpose3A : vector<64x576xf32> to vector<1x64x576xf32>
    tpu.vector_store %arg2[%swap3A, %swap3A_4, %swap3A_5], %swap3A_8 {strides = array<i32>} : memref<4x64x576xf32, #tpu.memory_space<vmem>>, vector<1x64x576xf32>,
    %get3A_9 = arith.constant 1 : index
    %get3A_10 = arith.constant 0 : index
    %get3A_11 = arith.constant 0 : index
    %get3A_12 = vector.load %arg1[%get3A_9, %get3A_10, %get3A_11] : memref<4x576x128xf32, #tpu.memory_space<vmem>>, vector<1x576x128xf32>
    %get3A_13 = vector.shape_cast %get3A_12 : vector<1x576x128xf32> to vector<576x128xf32>
    %slice3A_14 = vector.extract_strided_slice %get3A_13 {offsets = [0, 0], sizes = [576, 64], strides = [1, 1]} : vector<576x128xf32> to vector<576x64xf32>
    %transpose3A_15 = tpu.transpose %slice3A_14, [1, 0] : vector<576x64xf32> -> vector<64x576xf32>
    %swap3A_16 = arith.constant 1 : index
    %swap3A_17 = arith.constant 0 : index
    %swap3A_18 = arith.constant 0 : index
    %swap3A_19 = vector.load %arg2[%swap3A_16, %swap3A_17, %swap3A_18] : memref<4x64x576xf32, #tpu.memory_space<vmem>>, vector<1x64x576xf32>
    %swap3A_20 = vector.shape_cast %swap3A_19 : vector<1x64x576xf32> to vector<64x576xf32>
    %swap3A_21 = vector.shape_cast %transpose3A_15 : vector<64x576xf32> to vector<1x64x576xf32>
    tpu.vector_store %arg2[%swap3A_16, %swap3A_17, %swap3A_18], %swap3A_21 {strides = array<i32>} : memref<4x64x576xf32, #tpu.memory_space<vmem>>, vector<1x64x576xf32>,
    %get3A_22 = arith.constant 2 : index
    %get3A_23 = arith.constant 0 : index
    %get3A_24 = arith.constant 0 : index
    %get3A_25 = vector.load %arg1[%get3A_22, %get3A_23, %get3A_24] : memref<4x576x128xf32, #tpu.memory_space<vmem>>, vector<1x576x128xf32>
    %get3A_26 = vector.shape_cast %get3A_25 : vector<1x576x128xf32> to vector<576x128xf32>
    %slice3A_27 = vector.extract_strided_slice %get3A_26 {offsets = [0, 0], sizes = [576, 64], strides = [1, 1]} : vector<576x128xf32> to vector<576x64xf32>
    %transpose3A_28 = tpu.transpose %slice3A_27, [1, 0] : vector<576x64xf32> -> vector<64x576xf32>
    %swap3A_29 = arith.constant 2 : index
    %swap3A_30 = arith.constant 0 : index
    %swap3A_31 = arith.constant 0 : index
    %swap3A_32 = vector.load %arg2[%swap3A_29, %swap3A_30, %swap3A_31] : memref<4x64x576xf32, #tpu.memory_space<vmem>>, vector<1x64x576xf32>
    %swap3A_33 = vector.shape_cast %swap3A_32 : vector<1x64x576xf32> to vector<64x576xf32>
    %swap3A_34 = vector.shape_cast %transpose3A_28 : vector<64x576xf32> to vector<1x64x576xf32>
    tpu.vector_store %arg2[%swap3A_29, %swap3A_30, %swap3A_31], %swap3A_34 {strides = array<i32>} : memref<4x64x576xf32, #tpu.memory_space<vmem>>, vector<1x64x576xf32>,
    %get3A_35 = arith.constant 3 : index
    %get3A_36 = arith.constant 0 : index
    %get3A_37 = arith.constant 0 : index
    %get3A_38 = vector.load %arg1[%get3A_35, %get3A_36, %get3A_37] : memref<4x576x128xf32, #tpu.memory_space<vmem>>, vector<1x576x128xf32>
    %get3A_39 = vector.shape_cast %get3A_38 : vector<1x576x128xf32> to vector<576x128xf32>
    %slice3A_40 = vector.extract_strided_slice %get3A_39 {offsets = [0, 0], sizes = [576, 64], strides = [1, 1]} : vector<576x128xf32> to vector<576x64xf32>
    %transpose3A_41 = tpu.transpose %slice3A_40, [1, 0] : vector<576x64xf32> -> vector<64x576xf32>
    %swap3A_42 = arith.constant 3 : index
    %swap3A_43 = arith.constant 0 : index
    %swap3A_44 = arith.constant 0 : index
    %swap3A_45 = vector.load %arg2[%swap3A_42, %swap3A_43, %swap3A_44] : memref<4x64x576xf32, #tpu.memory_space<vmem>>, vector<1x64x576xf32>
    %swap3A_46 = vector.shape_cast %swap3A_45 : vector<1x64x576xf32> to vector<64x576xf32>
    %swap3A_47 = vector.shape_cast %transpose3A_41 : vector<64x576xf32> to vector<1x64x576xf32>
    tpu.vector_store %arg2[%swap3A_42, %swap3A_43, %swap3A_44], %swap3A_47 {strides = array<i32>} : memref<4x64x576xf32, #tpu.memory_space<vmem>>, vector<1x64x576xf32>,
    return
  }
  func.func @transform_0(%arg0: i32) -> (i32, i32, i32) {
    %c0_i32 = arith.constant 0 : i32
    %c0_i32_0 = arith.constant 0 : i32
    %c0_i32_1 = arith.constant 0 : i32
    return %arg0, %c0_i32, %c0_i32_0 : i32, i32, i32
  }
  func.func @transform_1(%arg0: i32) -> (i32, i32, i32) {
    %c0_i32 = arith.constant 0 : i32
    %c0_i32_0 = arith.constant 0 : i32
    %c0_i32_1 = arith.constant 0 : i32
    return %arg0, %c0_i32, %c0_i32_0 : i32, i32, i32
  }
}

module attributes {stable_mosaic.version = 14 : i64} {
  func.func @_argmin_body(%arg0: i32, %arg1: memref<4x64x576xf32, #tpu.memory_space<vmem>>, %arg2: memref<64x1024xf32, #tpu.memory_space<vmem>>, %arg3: memref<8x3x96xi32, #tpu.memory_space<vmem>>, %arg4: memref<1024x128xf32, #tpu.memory_space<vmem>>) attributes {dimension_semantics = [#tpu.dimension_semantics<arbitrary>], iteration_bounds = array<i64: 4>, scalar_prefetch = 0 : i64, scratch_operands = 0 : i64, tpu.core_type = #tpu.core_type<tc>, window_params = [{transform_indices = @transform_0, window_bounds = array<i64: 4, 64, 576>}, {pipeline_mode = #tpu.pipeline_mode<synchronous>, transform_indices = @transform_1, window_bounds = array<i64: 64, 1024>}, {transform_indices = @transform_2, window_bounds = array<i64: 8, 3, 96>}, {pipeline_mode = #tpu.pipeline_mode<synchronous>, transform_indices = @transform_3, window_bounds = array<i64: 1024, 128>}]} {
    %get3A = arith.constant 0 : index
    %get3A_0 = arith.constant 0 : index
    %get3A_1 = arith.constant 0 : index
    %get3A_2 = vector.load %arg1[%get3A, %get3A_0, %get3A_1] : memref<4x64x576xf32, #tpu.memory_space<vmem>>, vector<1x64x576xf32>
    %get3A_3 = vector.shape_cast %get3A_2 : vector<1x64x576xf32> to vector<64x576xf32>
    %transpose3A = tpu.transpose %get3A_3, [1, 0] : vector<64x576xf32> -> vector<576x64xf32>
    %get3A_4 = arith.constant 1 : index
    %get3A_5 = arith.constant 0 : index
    %get3A_6 = arith.constant 0 : index
    %get3A_7 = vector.load %arg1[%get3A_4, %get3A_5, %get3A_6] : memref<4x64x576xf32, #tpu.memory_space<vmem>>, vector<1x64x576xf32>
    %get3A_8 = vector.shape_cast %get3A_7 : vector<1x64x576xf32> to vector<64x576xf32>
    %transpose3A_9 = tpu.transpose %get3A_8, [1, 0] : vector<64x576xf32> -> vector<576x64xf32>
    %get3A_10 = arith.constant 2 : index
    %get3A_11 = arith.constant 0 : index
    %get3A_12 = arith.constant 0 : index
    %get3A_13 = vector.load %arg1[%get3A_10, %get3A_11, %get3A_12] : memref<4x64x576xf32, #tpu.memory_space<vmem>>, vector<1x64x576xf32>
    %get3A_14 = vector.shape_cast %get3A_13 : vector<1x64x576xf32> to vector<64x576xf32>
    %transpose3A_15 = tpu.transpose %get3A_14, [1, 0] : vector<64x576xf32> -> vector<576x64xf32>
    %get3A_16 = arith.constant 3 : index
    %get3A_17 = arith.constant 0 : index
    %get3A_18 = arith.constant 0 : index
    %get3A_19 = vector.load %arg1[%get3A_16, %get3A_17, %get3A_18] : memref<4x64x576xf32, #tpu.memory_space<vmem>>, vector<1x64x576xf32>
    %get3A_20 = vector.shape_cast %get3A_19 : vector<1x64x576xf32> to vector<64x576xf32>
    %transpose3A_21 = tpu.transpose %get3A_20, [1, 0] : vector<64x576xf32> -> vector<576x64xf32>
    %concatenate3A = tpu.concatenate %transpose3A, %transpose3A_9, %transpose3A_15, %transpose3A_21 in 0 : vector<576x64xf32>, vector<576x64xf32>, vector<576x64xf32>, vector<576x64xf32> -> vector<2304x64xf32>
    %get3A_22 = arith.constant 0 : index
    %get3A_23 = arith.constant 0 : index
    %get3A_24 = vector.load %arg2[%get3A_22, %get3A_23] : memref<64x1024xf32, #tpu.memory_space<vmem>>, vector<64x1024xf32>
    %dot_general3A = arith.constant dense<0.000000e+00> : vector<2304x1024xf32>
    %dot_general3A_25 = tpu.matmul %concatenate3A, %get3A_24, %dot_general3A {dimension_numbers = #tpu.dot_dimension_numbers<[1], [0], [0], [1], [0, 0, 1, 1], [], []>, transpose_lhs_hint = false} : vector<2304x64xf32>, vector<64x1024xf32>, vector<2304x1024xf32> -> vector<2304x1024xf32>
    %mul3A = arith.mulf %concatenate3A, %concatenate3A : vector<2304x64xf32>
    %reduce_sum3A = arith.constant dense<0.000000e+00> : vector<2304xf32>
    %reduce_sum3A_26 = vector.multi_reduction <add>, %mul3A, %reduce_sum3A [1] : vector<2304x64xf32> to vector<2304xf32>
    %broadcast_in_dim3A = vector.shape_cast %reduce_sum3A_26 : vector<2304xf32> to vector<2304x1xf32>
    %mul3A_27 = arith.mulf %get3A_24, %get3A_24 : vector<64x1024xf32>
    %reduce_sum3A_28 = arith.constant dense<0.000000e+00> : vector<1024xf32>
    %reduce_sum3A_29 = vector.multi_reduction <add>, %mul3A_27, %reduce_sum3A_28 [0] : vector<64x1024xf32> to vector<1024xf32>
    %broadcast_in_dim3A_30 = vector.shape_cast %reduce_sum3A_29 : vector<1024xf32> to vector<1x1024xf32>
    %add3A = vector.broadcast %broadcast_in_dim3A : vector<2304x1xf32> to vector<2304x1024xf32>
    %add3A_31 = vector.broadcast %broadcast_in_dim3A_30 : vector<1x1024xf32> to vector<2304x1024xf32>
    %add3A_32 = arith.addf %add3A, %add3A_31 : vector<2304x1024xf32>
    %mul3A_33 = arith.constant 2.000000e+00 : f32
    %mul3A_34 = vector.broadcast %mul3A_33 : f32 to vector<2304x1024xf32>
    %mul3A_35 = arith.mulf %mul3A_34, %dot_general3A_25 : vector<2304x1024xf32>
    %sub3A = arith.subf %add3A_32, %mul3A_35 : vector<2304x1024xf32>
    %reduce_min3A = arith.constant dense<0x7F800000> : vector<2304xf32>
    %reduce_min3A_36 = vector.multi_reduction <minimumf>, %sub3A, %reduce_min3A [1] : vector<2304x1024xf32> to vector<2304xf32>
    %broadcast_in_dim3A_37 = vector.shape_cast %reduce_min3A_36 : vector<2304xf32> to vector<2304x1xf32>
    %iota3A = tpu.iota {dimensions = array<i32: 1>} : vector<2304x1024xi32>
    %eq3A = vector.broadcast %broadcast_in_dim3A_37 : vector<2304x1xf32> to vector<2304x1024xf32>
    %eq3A_38 = arith.cmpf oeq, %sub3A, %eq3A : vector<2304x1024xf32>
    %jit3A = arith.constant 1024 : i32
    %broadcast_in_dim3A_39 = vector.broadcast %jit3A : i32 to vector<2304x1024xi32>
    %select_n3A = arith.select %eq3A_38, %iota3A, %broadcast_in_dim3A_39 : vector<2304x1024xi1>, vector<2304x1024xi32>
    %reduce_min3A_40 = arith.constant dense<2147483647> : vector<2304xi32>
    %reduce_min3A_41 = vector.multi_reduction <minsi>, %select_n3A, %reduce_min3A_40 [1] : vector<2304x1024xi32> to vector<2304xi32>
    %reshape3A = vector.shape_cast %reduce_min3A_41 : vector<2304xi32> to vector<8x3x96xi32>
    %swap3A = arith.constant 0 : index
    %swap3A_42 = arith.constant 0 : index
    %swap3A_43 = arith.constant 0 : index
    %swap3A_44 = vector.load %arg3[%swap3A, %swap3A_42, %swap3A_43] : memref<8x3x96xi32, #tpu.memory_space<vmem>>, vector<8x3x96xi32>
    tpu.vector_store %arg3[%swap3A, %swap3A_42, %swap3A_43], %reshape3A {strides = array<i32>} : memref<8x3x96xi32, #tpu.memory_space<vmem>>, vector<8x3x96xi32>,
    %eq3A_45 = arith.constant 0 : i32
    %eq3A_46 = arith.cmpi eq, %arg0, %eq3A_45 : i32
    %convert_element_type3A = arith.extui %eq3A_46 : i1 to i32
    %cond3A = arith.constant 0 : i32
    %cond3A_47 = arith.cmpi ne, %convert_element_type3A, %cond3A : i32
    scf.if %cond3A_47 {
      %transpose3A_48 = tpu.transpose %get3A_24, [1, 0] : vector<64x1024xf32> -> vector<1024x64xf32>
      %concatenate3A_49 = tpu.concatenate %transpose3A_48, %transpose3A_48 in 1 : vector<1024x64xf32>, vector<1024x64xf32> -> vector<1024x128xf32>
      %swap3A_50 = arith.constant 0 : index
      %swap3A_51 = arith.constant 0 : index
      %swap3A_52 = vector.load %arg4[%swap3A_50, %swap3A_51] : memref<1024x128xf32, #tpu.memory_space<vmem>>, vector<1024x128xf32>
      tpu.vector_store %arg4[%swap3A_50, %swap3A_51], %concatenate3A_49 {strides = array<i32>} : memref<1024x128xf32, #tpu.memory_space<vmem>>, vector<1024x128xf32>,
    } else {
    }
    return
  }
  func.func @transform_0(%arg0: i32) -> (i32, i32, i32) {
    %c0_i32 = arith.constant 0 : i32
    %c0_i32_0 = arith.constant 0 : i32
    %c0_i32_1 = arith.constant 0 : i32
    return %arg0, %c0_i32, %c0_i32_0 : i32, i32, i32
  }
  func.func @transform_1(%arg0: i32) -> (i32, i32) {
    %c0_i32 = arith.constant 0 : i32
    %c0_i32_0 = arith.constant 0 : i32
    %c0_i32_1 = arith.constant 0 : i32
    return %c0_i32, %c0_i32_0 : i32, i32
  }
  func.func @transform_2(%arg0: i32) -> (i32, i32, i32) {
    %c0_i32 = arith.constant 0 : i32
    %c0_i32_0 = arith.constant 0 : i32
    %c0_i32_1 = arith.constant 0 : i32
    return %arg0, %c0_i32, %c0_i32_0 : i32, i32, i32
  }
  func.func @transform_3(%arg0: i32) -> (i32, i32) {
    %c0_i32 = arith.constant 0 : i32
    %c0_i32_0 = arith.constant 0 : i32
    %c0_i32_1 = arith.constant 0 : i32
    return %c0_i32, %c0_i32_0 : i32, i32
  }
}

</mosaic_0001>

<sc_bundles>
// kernel: kernel.5.cloned.1.call-start
scs
__scs_entry_jumppad:
0x0: {  	(pc) =	sbr.rel $0x88, $3  }
0x1: {  	(tag) =	ssettag $0x0;
	lr =	simm.s32 $0x1  }
0x2: {  	[smem:$0x3F9F] =	sst lr;
	_ =	strace $0xD0000000  }
0x3: {  	_ = 	snop  }
0x4: {  	_ = 	snop  }
0x5: {  	_ = 	snop  }
0x6: {  	_ = 	snop  }
0x7: {  	_ = 	snop  }
__scs_overlays_trampoline_lowered:
0x8: {  	[smem:$0x3FAE] =	sst s0  }
0x9: {  	[smem:$0x3FAF] =	sst s1  }
0xa: {  	[smem:$0x3FB0] =	sst s2  }
0xb: {  	[smem:$0x3FB1] =	sst s3  }
0xc: {  	[smem:$0x3FB2] =	sst s4  }
0xd: {  	[smem:$0x3FB3] =	sst s5  }
0xe: {  	[smem:$0x3FB4] =	sst s6  }
0xf: {  	[smem:$0x3FB5] =	sst s7  }
0x10: {  	[smem:$0x3FB6] =	sst s8  }
0x11: {  	[smem:$0x3FB7] =	sst s9;
	s0 =	simm.s32 @!p0 $0x0  }
0x12: {  	s1 =	sld [smem:$0x3F9D];
	s0 =	simm.s32 @p0 $0x1  }
0x13: {  	[smem:$0x3FB8] =	sst s0;
	s0 =	simm.s32 @!p1 $0x0  }
0x14: {  	s2 =	sld [smem:$0x3F9C];
	s0 =	simm.s32 @p1 $0x1  }
0x15: {  	[smem:$0x3FB9] =	sst s0;
	s0 =	simm.s32 @!p2 $0x0  }
0x16: {  	s3 =	sld [smem:$0x3FDB];
	s0 =	simm.s32 @p2 $0x1  }
0x17: {  	s4 =	simm.s32 $0x1BF5;
	[smem:$0x3FBB] =	sst s0  }
0x18: {  	s0 =	sld [smem:$0x3F9E];
	_ =	swait.ge [sflag:s4], $0x0  }
0x19: {  	s7 =	sld [smem:$0x3F9F]  }
0x1a: {  	s8 =	sadd.s32 $0xFFFFE003, lr  }
0x1b: {  	s9 =	sadd.s32 $0xFFFFFEF7, lr;
	s5 =	simm.s32 $0xFFFFFFFF;
	p2 =	slt.u32 s8, $0xFFFFF086  }
0x1c: {  	p1 =	slt.u32 s9, $0xF7A;
	s5 =	simm.s32 @!p2 $0x0  }
0x1d: {  	s5 =	simm.s32 @p1 $0x1;
	p0 =	seq.s32 s7, s2  }
0x1e: {  	s7 =	smul.u32 @!p0 $0xF7A, s2;
	p2 =	seq.s32 @!p0 s5, $0x0  }
0x1f: {  	s9 =	smul.u32 $0xF7A, s1;
	s8 =	simm.s32 @!p0 $0x1BF5;
	p2 =	por !p2, p0  }
0x20: {  	[sflag:s8] =	ssyncset.s32 @!p0 $0xFFFFF086;
	s6 =	sadd.s32 @!p0 s3, s7;
	s7 =	simm.s32 @!p0 $0x108  }
0x21: {  	s3 =	sadd.s32 s3, s9;
	s6 =	sadd.s32 @!p0 $0x88, s6;
	s7 =	simm.s32 @p2 $0x1082  }
0x22: {  	[simem:s7], [sflag:s8] =	dma.local @!p0 [hbm:s6], $0xF7A  }
0x23: {  	s9 =	sor.u32 $0xD0000000, s2;
	s6 =	simm.s32 $0x108;
	_ =	swait.ge @!p0 [sflag:s8], $0x0  }
0x24: {  	s3 =	sadd.s32 $0x88, s3;
	s6 =	simm.s32 @!p1 $0x1082;
	[sflag:s4] =	ssyncset.s32 $0xFFFFF086  }
0x25: {  	[simem:s6], [sflag:s4] =	dma.local [hbm:s3], $0xF7A  }
0x26: {  	[smem:$0x3F9F] =	sst s1;
	(tag) =	ssettag s2;
	_ =	strace s9  }
0x27: {  	s1 =	sld [smem:$0x3FAF]  }
0x28: {  	s2 =	sld [smem:$0x3FB0]  }
0x29: {  	s4 =	sld [smem:$0x3FB2]  }
0x2a: {  	p0 =	seq.s32 s5, $0x0;
	s5 =	sld [smem:$0x3FB3]  }
0x2b: {  	s6 =	sld [smem:$0x3FB4]  }
0x2c: {  	s7 =	sld [smem:$0x3FB5]  }
0x2d: {  	s3 =	simm.s32 $0x108;
	s8 =	sld [smem:$0x3FB6]  }
0x2e: {  	s3 =	simm.s32 @!p0 $0x1082;
	s9 =	sld [smem:$0x3FB7]  }
0x2f: {  	lr =	sadd.s32 s0, s3;
	s0 =	sld [smem:$0x3FAE]  }
0x30: {  	s3 =	sld [smem:$0x3FB1]  }
0x31: {  	[smem:$0x3FBA] =	sst s10  }
0x32: {  	s10 =	sld [smem:$0x3FB8];
	_ =	sdelay $0x3  }
0x33: {  	p0 =	seq.s32 s10, $0x1;
	s10 =	sld [smem:$0x3FBA];
	_ =	sdelay $0x3  }
0x34: {  	[smem:$0x3FBA] =	sst s10  }
0x35: {  	s10 =	sld [smem:$0x3FB9];
	_ =	sdelay $0x3  }
0x36: {  	p1 =	seq.s32 s10, $0x1;
	s10 =	sld [smem:$0x3FBA];
	_ =	sdelay $0x3  }
0x37: {  	[smem:$0x3FBA] =	sst s10  }
0x38: {  	s10 =	sld [smem:$0x3FBB]  }
0x39: {  	_ = 	snop;
	(pc) =	sbr.ind lr, $3  }
0x3a: {  	_ = 	snop  }
0x3b: {  	_ = 	snop  }
0x3c: {  	p2 =	seq.s32 s10, $0x1;
	s10 =	sld [smem:$0x3FBA]  }
0x3d: {  	_ =	shalt  }
0x3e: {  	_ =	shalt  }
0x3f: {  	_ =	shalt  }
0x40: {  	_ =	shalt  }
0x41: {  	_ =	shalt  }
0x42: {  	_ =	shalt  }
0x43: {  	_ =	shalt  }
0x44: {  	_ =	shalt  }
0x45: {  	_ =	shalt  }
0x46: {  	_ =	shalt  }
0x47: {  	_ =	shalt  }
0x48: {  	_ =	shalt  }
0x49: {  	_ =	shalt  }
0x4a: {  	_ =	shalt  }
0x4b: {  	_ =	shalt  }
0x4c: {  	_ =	shalt  }
0x4d: {  	_ =	shalt  }
0x4e: {  	_ =	shalt  }
0x4f: {  	_ =	shalt  }
0x50: {  	_ =	shalt  }
0x51: {  	_ =	shalt  }
0x52: {  	_ =	shalt  }
0x53: {  	_ =	shalt  }
0x54: {  	_ =	shalt  }
0x55: {  	_ =	shalt  }
0x56: {  	_ =	shalt  }
0x57: {  	_ =	shalt  }
0x58: {  	_ =	shalt  }
0x59: {  	_ =	shalt  }
0x5a: {  	_ =	shalt  }
0x5b: {  	_ =	shalt  }
0x5c: {  	_ =	shalt  }
0x5d: {  	_ =	shalt  }
0x5e: {  	_ =	shalt  }
0x5f: {  	_ =	shalt  }
0x60: {  	_ =	shalt  }
0x61: {  	_ =	shalt  }
0x62: {  	_ =	shalt  }
0x63: {  	_ =	shalt  }
0x64: {  	_ =	shalt  }
0x65: {  	_ =	shalt  }
0x66: {  	_ =	shalt  }
0x67: {  	_ =	shalt  }
0x68: {  	_ =	shalt  }
0x69: {  	_ =	shalt  }
0x6a: {  	_ =	shalt  }
0x6b: {  	_ =	shalt  }
0x6c: {  	_ =	shalt  }
0x6d: {  	_ =	shalt  }
0x6e: {  	_ =	shalt  }
0x6f: {  	_ =	shalt  }
0x70: {  	_ =	shalt  }
0x71: {  	_ =	shalt  }
0x72: {  	_ =	shalt  }
0x73: {  	_ =	shalt  }
0x74: {  	_ =	shalt  }
0x75: {  	_ =	shalt  }
0x76: {  	_ =	shalt  }
0x77: {  	_ =	shalt  }
0x78: {  	_ =	shalt  }
0x79: {  	_ =	shalt  }
0x7a: {  	_ =	shalt  }
0x7b: {  	_ =	shalt  }
0x7c: {  	_ =	shalt  }
0x7d: {  	_ =	shalt  }
0x7e: {  	_ =	shalt  }
0x7f: {  	_ =	shalt  }
0x80: {  	_ =	shalt  }
0x81: {  	_ =	shalt  }
0x82: {  	_ =	shalt  }
0x83: {  	_ =	shalt  }
0x84: {  	_ =	shalt  }
0x85: {  	_ =	shalt  }
0x86: {  	_ =	shalt  }
0x87: {  	_ =	shalt  }
.Lfunc_end0:
.L_simem_size_0:
called_computation_lowered:
.L_overlay_start_0:
0x88: {  	s2 =	sld [smem:$0x3FD9]  }
0x89: {  	s3 =	sld [smem:$0x3FFE];
	_ =	sdelay $0x1  }
0x8a: {  	s1 =	srdreg.scid  }
0x8b: {  	s0 =	sand.u32 $0x1, s1  }
0x8c: {  	s17 =	sshll.u32 s0, $0xA;
	s2 =	sadd.s32 s3, s2  }
0x8d: {  	s2 =	sadd.s32 s2, s17  }
0x8e: {  	[smem:$0x3FC6] =	sst s2  }
0x8f: {  	_ = 	snop  }
0x90: {  	s2 =	sld [smem:$0x3FD0];
	(tm) =	ssettm $0x1  }
0x91: {  	s18 =	sld [smem:$0x3FFB];
	_ =	sdelay $0x3  }
0x92: {  	_ =	strace s18  }
0x93: {  	s3 =	sld [smem:$0x3FFC];
	_ =	sdelay $0x3  }
0x94: {  	_ =	strace s3  }
0x95: {  	s3 =	sld [smem:$0x3FFD];
	_ =	sdelay $0x3  }
0x96: {  	_ =	strace s3  }
0x97: {  	_ =	strace $0x8FFFFFFF  }
0x98: {  	s19 =	sld [smem:$0x3FDB];
	_ =	sdelay $0x1  }
0x99: {  	s4 =	simm.s32 $_scs_section_size  }
0x9a: {  	s5 =	simm.s32 $_size__tile_overlayer_lowered;
	s6 =	simm.s32 $_tile_overlayer_lowered  }
0x9b: {  	s22 =	simm.s32 $0x1BFF;
	s21 =	sshll.u32 s6, $0x1;
	s3 =	sadd.s32 s4, s19  }
0x9c: {  	s7 =	simm.s32 $0x0;
	s20 =	sshll.u32 s5, $0x1;
	s5 =	sadd.s32 s21, s3  }
0x9d: {  	[timem:s7], [sflag:s22] =	dma.local [hbm:s5], s20  }
0x9e: {  	_ =	swait.ge [sflag:s22], s20  }
0x9f: {  	s4 =	ssub.s32 $0x0, s20;
	[sflag:s22] =	ssyncset.done $0x0  }
0xa0: {  	[sflag:s22] =	ssyncadd.s32 s4;
	_ =	sdelay $0x1  }
0xa1: {  	s23 =	simm.s32 $0x1B8B  }
0xa2: {  	_ =	swait.ge [sflag:s23], $0x1  }
0xa3: {  	[sflag:s23] =	ssyncset.done $0x0  }
0xa4: {  	s25 =	simm.s32 $0x1B8E;
	s24 =	sld [smem:$0x3FFE];
	[sflag:s23] =	ssyncadd.s32 $0xFFFFFFFF  }
0xa5: {  	s26 =	simm.s32 $execute0_lowered;
	[smem:$0x3FD2] =	sst s25  }
0xa6: {  	s5 =	sshll.u32 s26, $0x1;
	_ =	strace $0x80000046;
	[dreg:$0x1] =	wrdreg $0xFFFFFFFF  }
0xa7: {  	s28 =	simm.s32 $_size_execute0_lowered;
	s3 =	sadd.s32 s3, s5;
	[dreg:$0x0] =	wrdreg $0x0  }
0xa8: {  	s5 =	sshll.u32 s28, $0x1;
	[dreg:$0x2] =	wrdreg s3  }
0xa9: {  	[dreg:$0x3] =	wrdreg s5  }
0xaa: {  	[dreg:$0x4] =	wrdreg $0xC0  }
0xab: {  	_ =	task [dreg:s7], $0x5FFFF  }
0xac: {  	[dreg:$0x1] =	wrdreg $0xFFFFFFFF  }
0xad: {  	[dreg:$0x0] =	wrdreg $0x60  }
0xae: {  	[dreg:$0x2] =	wrdreg s24  }
0xaf: {  	[dreg:$0x3] =	wrdreg s2  }
0xb0: {  	[dreg:$0x4] =	wrdreg $0x9  }
0xb1: {  	_ =	task.clear_ibuf [dreg:s7], $0x5FFFF;
	_ =	strace $0x90000046  }
0xb2: {  	s29 =	simm.s32 $0x9;
	_ =	strace $0x80000048  }
0xb3: {  	_ =	swait.ge [sflag:s29], $0x1  }
0xb4: {  	[sflag:s29] =	ssyncadd.s32 $0xFFFFFFFF  }
0xb5: {  	_ =	strace $0x90000048  }
0xb6: {  	_ =	sfence  }
0xb7: {  	s30 =	sld [smem:$0x0];
	_ =	sdelay $0x2  }
0xb8: {  	s31 =	sshll.u32 s1, $0xD;
	s1 =	sshrl.u32 s1, $0x2  }
0xb9: {  	s3 =	sand.u32 $0x4000, s31;
	s1 =	sadd.s32 s1, s30  }
0xba: {  	s0 =	sor.u32 s3, s0;
	s1 =	sshll.u32 s1, $0x11  }
0xbb: {  	s0 =	sor.u32 s1, s0  }
0xbc: {  	s0 =	sadd.s32 $0x8F2B, s0  }
0xbd: {  	[sflag:s0] =	ssyncadd.remote.s32 $0x1  }
0xbe: {  	_ =	sfence.sel $0xFFFF  }
0xbf: {  	[dreg:$0x0] =	wrdreg $0xFFFFFFFF;
	(pc) =	sbr.abs _section_cstart, $3  }
0xc0: {  	[dreg:$0x1] =	wrdreg $0xFFFFFFFF  }
0xc1: {  	_ =	task.clear_ibuf [dreg:s7], $0x2FFFF;
	_ =	strace $0x9FFFFFFF  }
0xc2: {  	(tm) =	ssettm $0x7FFFFFFF  }
0xc3: {  	_ =	shalt  }
tec
execute0_lowered:
.L_overlay_start_1:
0x0: {  	(tag) =	ssettag $0x1  }
0x1: {  	s1 =	srdreg.scid;
	s0 =	stileid.u32  }
0x2: {  	s17 =	sand.u32 $0x1, s1;
	s31 =	sshll.u32 s0, $0x1  }
0x3: {  	s13 =	rddreg [dreg:$0x0];
	s8 =	sor.u32 s17, s31  }
0x4: {  	s2 =	rddreg [dreg:$0x1];
	s3 =	simm.s32 $0x0;
	s4 =	sshll.u32 s8, $0x6  }
0x5: {  	s5 =	simm.s32 $0x3;
	[smem:$0x7FF] =	sst s3;
	s4 =	sadd.s32 s4, s13  }
0x6: {  	s1 =	rddreg [dreg:$0x2];
	_ =	strace $0x80000047;
	s4 =	sadd.s32 $0x1000, s4  }
0x7: {  	[tilespmem:s3], [sflag:$0x3] =	stream.linear.gather [hbm4b:s4+s3], $0x180, $0x38;
	[tilespmem:$0x9200] =	vst v63  }
0x8: {  	_ =	swait.ge [sflag:s5], $0x180  }
0x9: {  	[sflag:s5] =	ssyncset.done $0x0  }
0xa: {  	s6 =	simm.s32 $0x60;
	s7 =	simm.s32 $0x200;
	[sflag:s5] =	ssyncadd.s32 $0xFFFFFE80  }
0xb: {  	[tilespmem:s7], [sflag:$0x1] =	stream.indirect.gather [hbm4b:s2+s6], $0x80, s3, s6, $0xb8;
	[tilespmem:$0x9200] =	vst v63  }
0xc: {  	s9 =	simm.s32 $0x3200;
	s14 =	smul.u32 $0x9000, s8;
	s8 =	simm.s32 $0x80  }
0xd: {  	[tilespmem:s9], [sflag:$0x1] =	stream.indirect.gather [hbm4b:s2+s6], $0x80, s8, s6, $0xb8;
	[tilespmem:$0x9200] =	vst v63  }
0xe: {  	s10 =	simm.s32 $0x100;
	s11 =	simm.s32 $0x6200;
	s12 =	simm.s32 $0x1  }
0xf: {  	[tilespmem:s11], [sflag:$0x1] =	stream.indirect.gather [hbm4b:s2+s6], $0x80, s10, s6, $0xb8;
	[tilespmem:$0x9200] =	vst v63  }
0x10: {  	s14 =	sshrl.u32 s14, $0x3;
	_ =	swait.ge [sflag:s12], $0x3000  }
0x11: {  	s15 =	sadd.s32 s14, s13;
	[sflag:s12] =	ssyncset.done $0x0  }
0x12: {  	s13 =	sadd.s32 $0x1800, s15;
	[sflag:s12] =	ssyncadd.s32 $0xFFFFD000  }
0x13: {  	[hbm4b:s13+s3] =	stream.linear.scatter [tilespmem:s7], [sflag:$0x2], $0x3000, $0x38;
	[tilespmem:$0x9200] =	vst v63  }
0x14: {  	_ =	swait.ge [sflag:s12], $0x3000  }
0x15: {  	[sflag:s12] =	ssyncset.done $0x0  }
0x16: {  	s14 =	sadd.s32 $0x1E00, s15;
	[sflag:s12] =	ssyncadd.s32 $0xFFFFD000  }
0x17: {  	[hbm4b:s14+s3] =	stream.linear.scatter [tilespmem:s9], [sflag:$0x2], $0x3000, $0x38;
	[tilespmem:$0x9200] =	vst v63  }
0x18: {  	s17 =	ssub.s32 $0x2, s17;
	_ =	swait.ge [sflag:s12], $0x3000  }
0x19: {  	s18 =	sshrl.u32 s17, $0x1;
	[sflag:s12] =	ssyncset.done $0x0  }
0x1a: {  	s16 =	sadd.s32 $0x2400, s15;
	s15 =	simm.s32 $0x2;
	[sflag:s12] =	ssyncadd.s32 $0xFFFFD000  }
0x1b: {  	[hbm4b:s16+s3] =	stream.linear.scatter [tilespmem:s11], [sflag:$0x2], $0x3000, $0x38;
	[tilespmem:$0x9200] =	vst v63  }
0x1c: {  	s17 =	ssub.s32 s17, s18;
	_ =	swait.ge [sflag:s15], $0x3000  }
0x1d: {  	s17 =	smax.u32 s17, $0x1;
	[sflag:s15] =	ssyncset.done $0x0  }
0x1e: {  	p0 =	sne.s32 s17, $0x1;
	[sflag:s15] =	ssyncadd.s32 $0xFFFFD000  }
.Ltmp0:
0x1f: {  	_ =	swait.ge [sflag:s15], $0x3000;
	(pc) =	sbr.rel @!p0 .LBB2_2-.Ltmp0, $4  }
0x20: {  	[sflag:s15] =	ssyncset.done $0x0  }
0x21: {  	[sflag:s15] =	ssyncadd.s32 $0xFFFFD000  }
0x22: {  	_ =	swait.ge [sflag:s15], $0x3000  }
0x23: {  	s17 =	sadd.s32 $0xFFFFFFFF, s17;
	[sflag:s15] =	ssyncset.done $0x0  }
.LBB2_1:
0x24: {  	p0 =	sne.s32 s17, $0x1;
	s17 =	sadd.s32 $0xFFFFFFFF, s17;
	[sflag:s15] =	ssyncadd.s32 $0xFFFFD000  }
0x25: {  	[tilespmem:s3], [sflag:$0x3] =	stream.linear.gather [hbm4b:s4+s3], $0x180, $0x38;
	[tilespmem:$0x9200] =	vst v63  }
0x26: {  	_ =	swait.ge [sflag:s5], $0x180  }
0x27: {  	[sflag:s5] =	ssyncset.done $0x0  }
0x28: {  	[sflag:s5] =	ssyncadd.s32 $0xFFFFFE80  }
0x29: {  	[tilespmem:s7], [sflag:$0x1] =	stream.indirect.gather [hbm4b:s2+s6], $0x80, s3, s6, $0xb8;
	[tilespmem:$0x9200] =	vst v63  }
0x2a: {  	_ = 	snop  }
0x2b: {  	[tilespmem:s9], [sflag:$0x1] =	stream.indirect.gather [hbm4b:s2+s6], $0x80, s8, s6, $0xb8;
	[tilespmem:$0x9200] =	vst v63  }
0x2c: {  	_ = 	snop  }
0x2d: {  	[tilespmem:s11], [sflag:$0x1] =	stream.indirect.gather [hbm4b:s2+s6], $0x80, s10, s6, $0xb8;
	[tilespmem:$0x9200] =	vst v63  }
0x2e: {  	_ =	swait.ge [sflag:s12], $0x3000  }
0x2f: {  	[sflag:s12] =	ssyncset.done $0x0  }
0x30: {  	[sflag:s12] =	ssyncadd.s32 $0xFFFFD000  }
0x31: {  	[hbm4b:s13+s3] =	stream.linear.scatter [tilespmem:s7], [sflag:$0x2], $0x3000, $0x38;
	[tilespmem:$0x9200] =	vst v63  }
0x32: {  	_ =	swait.ge [sflag:s12], $0x3000  }
0x33: {  	[sflag:s12] =	ssyncset.done $0x0  }
0x34: {  	[sflag:s12] =	ssyncadd.s32 $0xFFFFD000  }
0x35: {  	[hbm4b:s14+s3] =	stream.linear.scatter [tilespmem:s9], [sflag:$0x2], $0x3000, $0x38;
	[tilespmem:$0x9200] =	vst v63  }
0x36: {  	_ =	swait.ge [sflag:s12], $0x3000  }
0x37: {  	[sflag:s12] =	ssyncset.done $0x0  }
0x38: {  	[sflag:s12] =	ssyncadd.s32 $0xFFFFD000  }
0x39: {  	[hbm4b:s16+s3] =	stream.linear.scatter [tilespmem:s11], [sflag:$0x2], $0x3000, $0x38;
	[tilespmem:$0x9200] =	vst v63  }
0x3a: {  	_ =	swait.ge [sflag:s15], $0x3000  }
0x3b: {  	[sflag:s15] =	ssyncset.done $0x0  }
0x3c: {  	[sflag:s15] =	ssyncadd.s32 $0xFFFFD000  }
.Ltmp1:
0x3d: {  	_ =	swait.ge [sflag:s15], $0x3000;
	(pc) =	sbr.rel @p0 .LBB2_1-.Ltmp1, $4  }
0x3e: {  	[sflag:s15] =	ssyncset.done $0x0  }
0x3f: {  	[sflag:s15] =	ssyncadd.s32 $0xFFFFD000  }
0x40: {  	_ =	swait.ge [sflag:s15], $0x3000  }
0x41: {  	[sflag:s15] =	ssyncset.done $0x0  }
.LBB2_2:
0x42: {  	[sflag:s15] =	ssyncadd.s32 $0xFFFFD000  }
0x43: {  	_ =	sfence.sel $0x180000  }
0x44: {  	[bflag:$0x0] =	sbarrier.arrive $0xFFFF  }
0x45: {  	p0 =	sne.s32 s0, $0x0;
	_ =	strace $0x90000047  }
0x46: {  	s0 =	sadd.s32 @!p0 $0x100000, s1;
	[bflag:$0x2] =	sbarrier.arrive $0xFFFF  }
0x47: {  	[sflag:s0] =	ssyncadd.tile.s32 @!p0 $0x1;
	_ =	shalt  }
.Lfunc_end2:
_tile_overlayer_lowered:
.L_overlay_start_2:
0x48: {  	(tag) =	ssettag $0x2  }
0x49: {  	s0 =	rddreg [dreg:$0x0];
	s2 =	stileid.u32  }
0x4a: {  	s1 =	rddreg [dreg:$0x1];
	p0 =	sne.s32 s2, $0x0  }
0x4b: {  	s3 =	rddreg [dreg:$0x2];
	[bflag:$0x3] =	sbarrier.arrive $0xFFFF;
	s2 =	simm.s32 @!p0 $0x1C03  }
0x4c: {  	[timem:s3], [sflag:s2] =	dma.local @!p0 [hbm:s0], s1  }
0x4d: {  	s0 =	simm.s32 @!p0 $0x3  }
0x4e: {  	_ =	swait.ge @!p0 [sflag:s0], s1  }
0x4f: {  	s1 =	ssub.s32 @!p0 $0x0, s1;
	[sflag:s0] =	ssyncset.done @!p0 $0x0  }
0x50: {  	[sflag:s0] =	ssyncadd.s32 @!p0 s1  }
0x51: {  	[bflag:$0x3] =	sbarrier.arrive $0xFFFF  }
0x52: {  	_ =	shalt  }

</sc_bundles>
